<compile_context>
chip_gen: v7x
topology: tpu7x:2x2x1
jax: 0.10.2.dev20260603
libtpu: 0.0.44.dev20260713+nightly
codegen_flags: <defaults>
</compile_context>

<pallas_src>
import functools

import jax
import jax.numpy as jnp
from jax import lax
from jax.experimental import pallas as pl
from jax.experimental.pallas import tpu as pltpu
from jax.experimental.pallas import tpu_sc as plsc

_V = 100000
_D = 64
_ALPHA = 0.7
_VB = 4096
_NBUF = 4
_NB = _V // _VB
_TAIL = _V - _NB * _VB
_TAILPAD = -(-_TAIL // 128) * 128
_NEG = -1e30


def _sc_row_gather(table, idx, n_rows_padded, rows_per_worker):
    info = plsc.get_sparse_core_info()
    nc = info.num_cores
    mesh = plsc.VectorSubcoreMesh(core_axis_name="c", subcore_axis_name="s")

    @functools.partial(
        pl.kernel,
        mesh=mesh,
        compiler_params=pltpu.CompilerParams(use_tc_tiling_on_sc=False),
        out_type=jax.ShapeDtypeStruct((n_rows_padded, _D), jnp.float32),
        scratch_types=[
            pltpu.VMEM((rows_per_worker,), jnp.int32),
            pltpu.VMEM((rows_per_worker, _D), jnp.float32),
            pltpu.SemaphoreType.DMA,
        ],
    )
    def gather_k(table_hbm, idx_hbm, out_hbm, idx_v, rows_v, sem):
        wid = lax.axis_index("s") * nc + lax.axis_index("c")
        base = wid * rows_per_worker
        pltpu.sync_copy(idx_hbm.at[pl.ds(base, rows_per_worker)], idx_v)
        pltpu.async_copy(table_hbm.at[idx_v], rows_v, sem).wait()
        pltpu.sync_copy(rows_v, out_hbm.at[pl.ds(base, rows_per_worker)])

    return gather_k(table, idx)


def _stream_body(h_ref, t_ref, w_hbm, s_ref, tg_ref, w_buf, sems, s_scr, tg_scr):
    rows = h_ref.shape[0]
    hb = h_ref[...].astype(jnp.bfloat16)
    s_scr[...] = jnp.zeros((rows, 1), jnp.float32)
    tg_scr[...] = jnp.zeros((rows, 1), jnp.float32)
    lane = lax.broadcasted_iota(jnp.int32, (rows, _VB), 1)
    tcol = t_ref[...]

    def start(i, slot):
        pltpu.make_async_copy(
            w_hbm.at[:, pl.ds(i * _VB, _VB)],
            w_buf.at[slot], sems.at[slot]).start()

    def wait(slot):
        pltpu.make_async_copy(
            w_hbm.at[:, pl.ds(0, _VB)],
            w_buf.at[slot], sems.at[slot]).wait()

    for k in range(_NBUF - 1):
        if k < _NB:
            start(k, k)

    def loop(i, carry):
        slot = lax.rem(i, _NBUF)

        @pl.when(i + _NBUF - 1 < _NB)
        def _():
            start(i + _NBUF - 1, lax.rem(i + _NBUF - 1, _NBUF))

        wait(slot)
        logits = jnp.dot(hb, w_buf[slot],
                         preferred_element_type=jnp.float32)
        s_scr[...] += jnp.sum(jnp.exp(logits), axis=1, keepdims=True)
        tg_scr[...] += jnp.sum(
            jnp.where(lane == tcol - i * _VB, logits, 0.0),
            axis=1, keepdims=True)
        return carry

    lax.fori_loop(0, _NB, loop, 0)
    s_ref[...] = s_scr[...]
    tg_ref[...] = tg_scr[...]


def _stream(h, targets, w):
    rows = h.shape[0]
    return pl.pallas_call(
        _stream_body,
        in_specs=[
            pl.BlockSpec((rows, _D), lambda: (0, 0)),
            pl.BlockSpec((rows, 1), lambda: (0, 0)),
            pl.BlockSpec(memory_space=pl.ANY),
        ],
        out_specs=[
            pl.BlockSpec((rows, 1), lambda: (0, 0)),
            pl.BlockSpec((rows, 1), lambda: (0, 0)),
        ],
        out_shape=[jax.ShapeDtypeStruct((rows, 1), jnp.float32)] * 2,
        scratch_shapes=[
            pltpu.VMEM((_NBUF, _D, _VB), jnp.bfloat16),
            pltpu.SemaphoreType.DMA((_NBUF,)),
            pltpu.VMEM((rows, 1), jnp.float32),
            pltpu.VMEM((rows, 1), jnp.float32),
        ],
    )(h, targets, w)


def _combine_body(s_ref, tg_ref, h_ref, wtail_ref, t_ref, m_ref,
                  gt_ref, mix_ref):
    rows = s_ref.shape[0]
    half = rows // 2
    tail_logits = jnp.dot(h_ref[...].astype(jnp.bfloat16),
                          wtail_ref[...],
                          preferred_element_type=jnp.float32)
    s_tot = s_ref[...] + jnp.sum(jnp.exp(tail_logits), axis=1, keepdims=True)
    lane = lax.broadcasted_iota(jnp.int32, (rows, _TAIL), 1)
    tgt = tg_ref[...] + jnp.sum(
        jnp.where(lane == t_ref[...] - _NB * _VB, tail_logits, 0.0),
        axis=1, keepdims=True)
    nll = (jnp.log(s_tot) - tgt) * m_ref[...]
    msum = jnp.sum(m_ref[0:half, :])
    loss_gt = jnp.sum(nll[0:half, :]) / msum
    loss_sm = jnp.sum(nll[half:, :]) / msum
    gt_ref[...] = loss_gt.reshape(1, 1)
    mix_ref[...] = (_ALPHA * loss_sm + (1.0 - _ALPHA) * loss_gt).reshape(1, 1)


def _combine(s, tg, h, w_tail, targets, masks):
    return pl.pallas_call(
        _combine_body,
        out_shape=[jax.ShapeDtypeStruct((1, 1), jnp.float32)] * 2,
    )(s, tg, h, w_tail, targets, masks)


def kernel(emb_table, W_out, mask, input_lines_src, input_lines_trg,
           output_lines_trg, ipreds_alt, opreds_alt):
    n, s = input_lines_trg.shape
    rows = 2 * n * s

    labels = jnp.concatenate([input_lines_trg.reshape(-1),
                              ipreds_alt.reshape(-1)]).astype(jnp.int32)
    targets = jnp.concatenate([output_lines_trg.reshape(-1),
                               opreds_alt.reshape(-1)]).astype(jnp.int32)
    m = mask.reshape(-1).astype(jnp.float32)
    masks = jnp.concatenate([m, m])

    info = plsc.get_sparse_core_info()
    nw = info.num_cores * info.num_subcores
    rpw = -(-rows // nw)
    rpw = ((rpw + 7) // 8) * 8
    padded = rpw * nw
    labels_p = jnp.zeros((padded,), jnp.int32).at[:rows].set(labels)

    h = _sc_row_gather(emb_table, labels_p, padded, rpw)[:rows]
    t2 = targets.reshape(rows, 1)
    w_bf = W_out.astype(jnp.bfloat16)
    s_sum, tg = _stream(h, t2, w_bf)

    w_tail = w_bf[:, _NB * _VB:]
    gt, mix = _combine(s_sum, tg, h, w_tail, t2, masks.reshape(rows, 1))
    return (gt[0, 0], mix[0, 0])

# --- scband reference (transcript-rebuilt; emitter-appended) ---
"""Pipeline reference for scband-reward-sampler-5755256177171 (READ-ONLY COPY).

The authoritative reference and input builder live on the scoring server;
editing this copy changes nothing except your own understanding.
"""

import jax, jax.numpy as jnp
import numpy as np

VOCAB = 100000
D = 64
N = 16
S = 20
ALPHA = 0.7


def setup_inputs(seed: int = 0) -> dict:
    key = jax.random.key(seed)
    ks = jax.random.split(key, 8)
    return {
        "emb_table": jax.random.normal(ks[0], (VOCAB, D), dtype=jnp.float32) * 0.02,
        "W_out": jax.random.normal(ks[1], (D, VOCAB), dtype=jnp.float32) * 0.02,
        "mask": jnp.ones((N, S), dtype=jnp.float32),
        "input_lines_src": jax.random.randint(ks[2], (N, S), 0, VOCAB),
        "input_lines_trg": jax.random.randint(ks[3], (N, S), 0, VOCAB),
        "output_lines_trg": jax.random.randint(ks[4], (N, S), 0, VOCAB),
        "ipreds_alt": jax.random.randint(ks[5], (N, S), 0, VOCAB),
        "opreds_alt": jax.random.randint(ks[6], (N, S), 0, VOCAB),
    }


def _model_fwd(emb, W, labels):
    # stand-in captioning model: embedding gather + vocab projection + log-softmax
    h = jnp.take(emb, labels, axis=0)          # [N, S, D] gather (memory-bound)
    logits = h @ W                              # [N, S, V]
    return jax.nn.log_softmax(logits, axis=-1)


def _ml_loss(logp, target, mask):
    # faithful to get_ml_loss: gather target log-prob, mask, normalize by mask sum
    V = logp.shape[-1]
    logp2 = logp.reshape(-1, V)
    t = target.reshape(-1, 1)
    m = mask.reshape(-1, 1)
    ml = -jnp.take_along_axis(logp2, t, axis=1) * m
    return jnp.sum(ml) / jnp.sum(m)


def reference(emb_table, W_out, mask, input_lines_src, input_lines_trg,
              output_lines_trg, ipreds_alt, opreds_alt):
    # ground-truth pass
    inp = _model_fwd(emb_table, W_out, input_lines_trg)
    seq_length = inp.shape[1]
    target = output_lines_trg[:, :seq_length]
    m = mask[:, :seq_length]
    loss_gt = _ml_loss(inp, target, m)
    ml_gt = loss_gt
    # MC=1 sampled pass on reward-altered sequences (ipreds_alt/opreds_alt = self.alter(target))
    sample_inp = _model_fwd(emb_table, W_out, ipreds_alt)
    loss_sampled = _ml_loss(sample_inp, opreds_alt[:, :seq_length], m)
    output = loss_sampled / 1.0  # MC average with MC=1
    output = ALPHA * output + (1.0 - ALPHA) * loss_gt
    return (ml_gt, output)

if __name__ == "__main__":
    import jax
    _d = setup_inputs()
    print(jax.jit(kernel)(*tuple(_d.values())))

</pallas_src>

<mosaic_0001>
#map = affine_map<(d0, d1) -> (0, 0)>
#map1 = affine_map<(d0, d1) -> (0)>
module attributes {stable_mosaic.version = 14 : i64} {
  func.func @gather_k(%arg0: i32, %arg1: i32, %arg2: memref<100000x64xf32, #tpu.memory_space<hbm>>, %arg3: memref<768xi32, #tpu.memory_space<hbm>>, %arg4: memref<768x64xf32, #tpu.memory_space<hbm>>, %arg5: memref<24xi32, #tpu.memory_space<vmem>>, %arg6: memref<24x64xf32, #tpu.memory_space<vmem>>, %arg7: memref<!tpu.dma_semaphore, #tpu.memory_space<semaphore_mem>>) attributes {dimension_semantics = [#tpu.dimension_semantics<core_parallel>, #tpu.dimension_semantics<subcore_parallel>], iteration_bounds = array<i64: 2, 16>, scalar_prefetch = 0 : i64, scratch_operands = 3 : i64, tpu.core_type = #tpu.core_type<sc_vector_subcore>, window_params = [{transform_indices = #map}, {transform_indices = #map1}, {transform_indices = #map}]} {
    %mul3A = arith.constant 2 : i32
    %mul3A_0 = arith.muli %arg1, %mul3A : i32
    %add3A = arith.addi %mul3A_0, %arg0 : i32
    %mul3A_1 = arith.constant 24 : i32
    %mul3A_2 = arith.muli %add3A, %mul3A_1 : i32
    "tpu.region"() ({
      %run_scoped3A = tpu.sem_alloc : memref<!tpu.dma_semaphore, #tpu.memory_space<semaphore_mem>>
      %dma_start3A_7 = tpu.memref_slice %arg3[%mul3A_2] : memref<768xi32, #tpu.memory_space<hbm>> -> memref<24xi32, #tpu.memory_space<hbm>>
      %dma_start3A_8 = tpu.memref_slice %arg3[%mul3A_2] : memref<768xi32, #tpu.memory_space<hbm>> -> memref<24xi32, #tpu.memory_space<hbm>>
      tpu.enqueue_dma source(%dma_start3A_8 : memref<24xi32, #tpu.memory_space<hbm>>) target(%arg5 : memref<24xi32, #tpu.memory_space<vmem>>) target_semaphore(%run_scoped3A : memref<!tpu.dma_semaphore, #tpu.memory_space<semaphore_mem>>)
      %dma_wait3A_9 = tpu.memref_slice %arg3[%mul3A_2] : memref<768xi32, #tpu.memory_space<hbm>> -> memref<24xi32, #tpu.memory_space<hbm>>
      %dma_wait3A_10 = tpu.memref_slice %arg3[%mul3A_2] : memref<768xi32, #tpu.memory_space<hbm>> -> memref<24xi32, #tpu.memory_space<hbm>>
      tpu.wait_dma2 semaphore(%run_scoped3A : memref<!tpu.dma_semaphore, #tpu.memory_space<semaphore_mem>>) src(%dma_wait3A_10 : memref<24xi32, #tpu.memory_space<hbm>>) dst(%arg5 : memref<24xi32, #tpu.memory_space<vmem>>)
      tpu.yield
    }) : () -> ()
    %dma_start3A = arith.constant 0 : i32
    %dma_start3A_3 = arith.constant 0 : i32
    %dma_start3A_4 = tpu.memref_slice %arg2[%dma_start3A, %dma_start3A_3] : memref<100000x64xf32, #tpu.memory_space<hbm>> -> memref<100000x64xf32, #tpu.memory_space<hbm>>
    tpu.enqueue_indirect_dma source(%dma_start3A_4 : memref<100000x64xf32, #tpu.memory_space<hbm>>) target(%arg6 : memref<24x64xf32, #tpu.memory_space<vmem>>) offsets(%arg5 : memref<24xi32, #tpu.memory_space<vmem>>) semaphore(%arg7 : memref<!tpu.dma_semaphore, #tpu.memory_space<semaphore_mem>>)
    %dma_wait3A = arith.constant 0 : i32
    %dma_wait3A_5 = arith.constant 0 : i32
    %dma_wait3A_6 = tpu.memref_slice %arg2[%dma_wait3A, %dma_wait3A_5] : memref<100000x64xf32, #tpu.memory_space<hbm>> -> memref<100000x64xf32, #tpu.memory_space<hbm>>
    tpu.wait_indirect_dma semaphore(%arg7 : memref<!tpu.dma_semaphore, #tpu.memory_space<semaphore_mem>>) src(%dma_wait3A_6 : memref<100000x64xf32, #tpu.memory_space<hbm>>) dst(%arg6 : memref<24x64xf32, #tpu.memory_space<vmem>>)
    "tpu.region"() ({
      %run_scoped3A = tpu.sem_alloc : memref<!tpu.dma_semaphore, #tpu.memory_space<semaphore_mem>>
      %dma_start3A_7 = arith.constant 0 : i32
      %dma_start3A_8 = tpu.memref_slice %arg4[%mul3A_2, %dma_start3A_7] : memref<768x64xf32, #tpu.memory_space<hbm>> -> memref<24x64xf32, #tpu.memory_space<hbm>>
      %dma_start3A_9 = arith.constant 0 : i32
      %dma_start3A_10 = tpu.memref_slice %arg4[%mul3A_2, %dma_start3A_9] : memref<768x64xf32, #tpu.memory_space<hbm>> -> memref<24x64xf32, #tpu.memory_space<hbm>>
      tpu.enqueue_dma source(%arg6 : memref<24x64xf32, #tpu.memory_space<vmem>>) target(%dma_start3A_10 : memref<24x64xf32, #tpu.memory_space<hbm>>) target_semaphore(%run_scoped3A : memref<!tpu.dma_semaphore, #tpu.memory_space<semaphore_mem>>)
      %dma_wait3A_11 = arith.constant 0 : i32
      %dma_wait3A_12 = tpu.memref_slice %arg4[%mul3A_2, %dma_wait3A_11] : memref<768x64xf32, #tpu.memory_space<hbm>> -> memref<24x64xf32, #tpu.memory_space<hbm>>
      %dma_wait3A_13 = arith.constant 0 : i32
      %dma_wait3A_14 = tpu.memref_slice %arg4[%mul3A_2, %dma_wait3A_13] : memref<768x64xf32, #tpu.memory_space<hbm>> -> memref<24x64xf32, #tpu.memory_space<hbm>>
      tpu.wait_dma2 semaphore(%run_scoped3A : memref<!tpu.dma_semaphore, #tpu.memory_space<semaphore_mem>>) src(%arg6 : memref<24x64xf32, #tpu.memory_space<vmem>>) dst(%dma_wait3A_14 : memref<24x64xf32, #tpu.memory_space<hbm>>)
      tpu.yield
    }) : () -> ()
    return
  }
}

module attributes {stable_mosaic.version = 14 : i64} {
  func.func @_stream_body(%arg0: memref<640x64xf32, #tpu.memory_space<vmem>>, %arg1: memref<640x1xi32, #tpu.memory_space<vmem>>, %arg2: memref<64x100000xbf16, #tpu.memory_space<any>>, %arg3: memref<640x1xf32, #tpu.memory_space<vmem>>, %arg4: memref<640x1xf32, #tpu.memory_space<vmem>>, %arg5: memref<4x64x4096xbf16, #tpu.memory_space<vmem>>, %arg6: memref<4x!tpu.dma_semaphore, #tpu.memory_space<semaphore_mem>>, %arg7: memref<640x1xf32, #tpu.memory_space<vmem>>, %arg8: memref<640x1xf32, #tpu.memory_space<vmem>>) attributes {dimension_semantics = [], scalar_prefetch = 0 : i64, scratch_operands = 4 : i64, tpu.core_type = #tpu.core_type<tc>} {
    %get3A = arith.constant 0 : index
    %get3A_0 = arith.constant 0 : index
    %get3A_1 = vector.load %arg0[%get3A, %get3A_0] : memref<640x64xf32, #tpu.memory_space<vmem>>, vector<640x64xf32>
    %convert_element_type3A = arith.truncf %get3A_1 : vector<640x64xf32> to vector<640x64xbf16>
    %broadcast_in_dim3A = arith.constant 0.000000e+00 : f32
    %broadcast_in_dim3A_2 = vector.broadcast %broadcast_in_dim3A : f32 to vector<640x1xf32>
    %swap3A = arith.constant 0 : index
    %swap3A_3 = arith.constant 0 : index
    %swap3A_4 = vector.load %arg7[%swap3A, %swap3A_3] : memref<640x1xf32, #tpu.memory_space<vmem>>, vector<640x1xf32>
    tpu.vector_store %arg7[%swap3A, %swap3A_3], %broadcast_in_dim3A_2 {strides = array<i32>} : memref<640x1xf32, #tpu.memory_space<vmem>>, vector<640x1xf32>,
    %broadcast_in_dim3A_5 = arith.constant 0.000000e+00 : f32
    %broadcast_in_dim3A_6 = vector.broadcast %broadcast_in_dim3A_5 : f32 to vector<640x1xf32>
    %swap3A_7 = arith.constant 0 : index
    %swap3A_8 = arith.constant 0 : index
    %swap3A_9 = vector.load %arg8[%swap3A_7, %swap3A_8] : memref<640x1xf32, #tpu.memory_space<vmem>>, vector<640x1xf32>
    tpu.vector_store %arg8[%swap3A_7, %swap3A_8], %broadcast_in_dim3A_6 {strides = array<i32>} : memref<640x1xf32, #tpu.memory_space<vmem>>, vector<640x1xf32>,
    %iota3A = tpu.iota {dimensions = array<i32: 1>} : vector<640x4096xi32>
    %get3A_10 = arith.constant 0 : index
    %get3A_11 = arith.constant 0 : index
    %get3A_12 = vector.load %arg1[%get3A_10, %get3A_11] : memref<640x1xi32, #tpu.memory_space<vmem>>, vector<640x1xi32>
    %dma_start3A = arith.constant 0 : i32
    %dma_start3A_13 = arith.constant 0 : i32
    %dma_start3A_14 = tpu.memref_slice %arg6[%dma_start3A_13] : memref<4x!tpu.dma_semaphore, #tpu.memory_space<semaphore_mem>> -> memref<1x!tpu.dma_semaphore, #tpu.memory_space<semaphore_mem>>
    %dma_start3A_15 = tpu.memref_squeeze %dma_start3A_14 : memref<1x!tpu.dma_semaphore, #tpu.memory_space<semaphore_mem>> -> memref<!tpu.dma_semaphore, #tpu.memory_space<semaphore_mem>>
    %dma_start3A_16 = arith.constant 0 : i32
    %dma_start3A_17 = arith.constant 0 : i32
    %dma_start3A_18 = tpu.memref_slice %arg5[%dma_start3A, %dma_start3A_16, %dma_start3A_17] : memref<4x64x4096xbf16, #tpu.memory_space<vmem>> -> memref<1x64x4096xbf16, #tpu.memory_space<vmem>>
    %dma_start3A_19 = tpu.memref_squeeze %dma_start3A_18 : memref<1x64x4096xbf16, #tpu.memory_space<vmem>> -> memref<64x4096xbf16, #tpu.memory_space<vmem>>
    %dma_start3A_20 = arith.constant 0 : i32
    %dma_start3A_21 = arith.constant 0 : i32
    %dma_start3A_22 = tpu.memref_slice %arg2[%dma_start3A_20, %dma_start3A_21] : memref<64x100000xbf16, #tpu.memory_space<any>> -> memref<64x4096xbf16, #tpu.memory_space<any>>
    tpu.enqueue_dma source(%dma_start3A_22 : memref<64x4096xbf16, #tpu.memory_space<any>>) target(%dma_start3A_19 : memref<64x4096xbf16, #tpu.memory_space<vmem>>) target_semaphore(%dma_start3A_15 : memref<!tpu.dma_semaphore, #tpu.memory_space<semaphore_mem>>)
    %dma_start3A_23 = arith.constant 1 : i32
    %dma_start3A_24 = arith.constant 1 : i32
    %dma_start3A_25 = tpu.memref_slice %arg6[%dma_start3A_24] : memref<4x!tpu.dma_semaphore, #tpu.memory_space<semaphore_mem>> -> memref<1x!tpu.dma_semaphore, #tpu.memory_space<semaphore_mem>>
    %dma_start3A_26 = tpu.memref_squeeze %dma_start3A_25 : memref<1x!tpu.dma_semaphore, #tpu.memory_space<semaphore_mem>> -> memref<!tpu.dma_semaphore, #tpu.memory_space<semaphore_mem>>
    %dma_start3A_27 = arith.constant 0 : i32
    %dma_start3A_28 = arith.constant 0 : i32
    %dma_start3A_29 = tpu.memref_slice %arg5[%dma_start3A_23, %dma_start3A_27, %dma_start3A_28] : memref<4x64x4096xbf16, #tpu.memory_space<vmem>> -> memref<1x64x4096xbf16, #tpu.memory_space<vmem>>
    %dma_start3A_30 = tpu.memref_squeeze %dma_start3A_29 : memref<1x64x4096xbf16, #tpu.memory_space<vmem>> -> memref<64x4096xbf16, #tpu.memory_space<vmem>>
    %dma_start3A_31 = arith.constant 0 : i32
    %dma_start3A_32 = arith.constant 4096 : i32
    %dma_start3A_33 = tpu.memref_slice %arg2[%dma_start3A_31, %dma_start3A_32] : memref<64x100000xbf16, #tpu.memory_space<any>> -> memref<64x4096xbf16, #tpu.memory_space<any>>
    tpu.enqueue_dma source(%dma_start3A_33 : memref<64x4096xbf16, #tpu.memory_space<any>>) target(%dma_start3A_30 : memref<64x4096xbf16, #tpu.memory_space<vmem>>) target_semaphore(%dma_start3A_26 : memref<!tpu.dma_semaphore, #tpu.memory_space<semaphore_mem>>)
    %dma_start3A_34 = arith.constant 2 : i32
    %dma_start3A_35 = arith.constant 2 : i32
    %dma_start3A_36 = tpu.memref_slice %arg6[%dma_start3A_35] : memref<4x!tpu.dma_semaphore, #tpu.memory_space<semaphore_mem>> -> memref<1x!tpu.dma_semaphore, #tpu.memory_space<semaphore_mem>>
    %dma_start3A_37 = tpu.memref_squeeze %dma_start3A_36 : memref<1x!tpu.dma_semaphore, #tpu.memory_space<semaphore_mem>> -> memref<!tpu.dma_semaphore, #tpu.memory_space<semaphore_mem>>
    %dma_start3A_38 = arith.constant 0 : i32
    %dma_start3A_39 = arith.constant 0 : i32
    %dma_start3A_40 = tpu.memref_slice %arg5[%dma_start3A_34, %dma_start3A_38, %dma_start3A_39] : memref<4x64x4096xbf16, #tpu.memory_space<vmem>> -> memref<1x64x4096xbf16, #tpu.memory_space<vmem>>
    %dma_start3A_41 = tpu.memref_squeeze %dma_start3A_40 : memref<1x64x4096xbf16, #tpu.memory_space<vmem>> -> memref<64x4096xbf16, #tpu.memory_space<vmem>>
    %dma_start3A_42 = arith.constant 0 : i32
    %dma_start3A_43 = arith.constant 8192 : i32
    %dma_start3A_44 = tpu.memref_slice %arg2[%dma_start3A_42, %dma_start3A_43] : memref<64x100000xbf16, #tpu.memory_space<any>> -> memref<64x4096xbf16, #tpu.memory_space<any>>
    tpu.enqueue_dma source(%dma_start3A_44 : memref<64x4096xbf16, #tpu.memory_space<any>>) target(%dma_start3A_41 : memref<64x4096xbf16, #tpu.memory_space<vmem>>) target_semaphore(%dma_start3A_37 : memref<!tpu.dma_semaphore, #tpu.memory_space<semaphore_mem>>)
    %scan3A = arith.constant 0 : i32
    %scan3A_45 = arith.constant 24 : i32
    %scan3A_46 = arith.addi %scan3A, %scan3A_45 : i32
    %scan3A_47 = arith.constant 1 : i32
    scf.for %scan3A_61 = %scan3A to %scan3A_46 step %scan3A_47  : i32 {
      %rem3A = arith.constant 4 : i32
      %rem3A_62 = arith.remsi %scan3A_61, %rem3A : i32
      %add3A = arith.constant 4 : i32
      %add3A_63 = arith.addi %scan3A_61, %add3A : i32
      %sub3A = arith.constant 1 : i32
      %sub3A_64 = arith.subi %add3A_63, %sub3A : i32
      %lt3A = arith.constant 24 : i32
      %lt3A_65 = arith.cmpi slt, %sub3A_64, %lt3A : i32
      %convert_element_type3A_66 = arith.extui %lt3A_65 : i1 to i32
      %cond3A = arith.constant 0 : i32
      %cond3A_67 = arith.cmpi ne, %convert_element_type3A_66, %cond3A : i32
      scf.if %cond3A_67 {
        %add3A_106 = arith.constant 4 : i32
        %add3A_107 = arith.addi %scan3A_61, %add3A_106 : i32
        %sub3A_108 = arith.constant 1 : i32
        %sub3A_109 = arith.subi %add3A_107, %sub3A_108 : i32
        %add3A_110 = arith.constant 4 : i32
        %add3A_111 = arith.addi %scan3A_61, %add3A_110 : i32
        %sub3A_112 = arith.constant 1 : i32
        %sub3A_113 = arith.subi %add3A_111, %sub3A_112 : i32
        %rem3A_114 = arith.constant 4 : i32
        %rem3A_115 = arith.remsi %sub3A_113, %rem3A_114 : i32
        %mul3A_116 = arith.constant 4096 : i32
        %mul3A_117 = arith.muli %sub3A_109, %mul3A_116 : i32
        %dma_start3A_118 = tpu.memref_slice %arg6[%rem3A_115] : memref<4x!tpu.dma_semaphore, #tpu.memory_space<semaphore_mem>> -> memref<1x!tpu.dma_semaphore, #tpu.memory_space<semaphore_mem>>
        %dma_start3A_119 = tpu.memref_squeeze %dma_start3A_118 : memref<1x!tpu.dma_semaphore, #tpu.memory_space<semaphore_mem>> -> memref<!tpu.dma_semaphore, #tpu.memory_space<semaphore_mem>>
        %dma_start3A_120 = arith.constant 0 : i32
        %dma_start3A_121 = arith.constant 0 : i32
        %dma_start3A_122 = tpu.memref_slice %arg5[%rem3A_115, %dma_start3A_120, %dma_start3A_121] : memref<4x64x4096xbf16, #tpu.memory_space<vmem>> -> memref<1x64x4096xbf16, #tpu.memory_space<vmem>>
        %dma_start3A_123 = tpu.memref_squeeze %dma_start3A_122 : memref<1x64x4096xbf16, #tpu.memory_space<vmem>> -> memref<64x4096xbf16, #tpu.memory_space<vmem>>
        %dma_start3A_124 = arith.constant 0 : i32
        %dma_start3A_125 = tpu.memref_slice %arg2[%dma_start3A_124, %mul3A_117] : memref<64x100000xbf16, #tpu.memory_space<any>> -> memref<64x4096xbf16, #tpu.memory_space<any>>
        tpu.enqueue_dma source(%dma_start3A_125 : memref<64x4096xbf16, #tpu.memory_space<any>>) target(%dma_start3A_123 : memref<64x4096xbf16, #tpu.memory_space<vmem>>) target_semaphore(%dma_start3A_119 : memref<!tpu.dma_semaphore, #tpu.memory_space<semaphore_mem>>)
      } else {
      }
      %dma_wait3A = tpu.memref_slice %arg6[%rem3A_62] : memref<4x!tpu.dma_semaphore, #tpu.memory_space<semaphore_mem>> -> memref<1x!tpu.dma_semaphore, #tpu.memory_space<semaphore_mem>>
      %dma_wait3A_68 = tpu.memref_squeeze %dma_wait3A : memref<1x!tpu.dma_semaphore, #tpu.memory_space<semaphore_mem>> -> memref<!tpu.dma_semaphore, #tpu.memory_space<semaphore_mem>>
      %dma_wait3A_69 = arith.constant 0 : i32
      %dma_wait3A_70 = arith.constant 0 : i32
      %dma_wait3A_71 = tpu.memref_slice %arg5[%rem3A_62, %dma_wait3A_69, %dma_wait3A_70] : memref<4x64x4096xbf16, #tpu.memory_space<vmem>> -> memref<1x64x4096xbf16, #tpu.memory_space<vmem>>
      %dma_wait3A_72 = tpu.memref_squeeze %dma_wait3A_71 : memref<1x64x4096xbf16, #tpu.memory_space<vmem>> -> memref<64x4096xbf16, #tpu.memory_space<vmem>>
      %dma_wait3A_73 = arith.constant 0 : i32
      %dma_wait3A_74 = arith.constant 0 : i32
      %dma_wait3A_75 = tpu.memref_slice %arg2[%dma_wait3A_73, %dma_wait3A_74] : memref<64x100000xbf16, #tpu.memory_space<any>> -> memref<64x4096xbf16, #tpu.memory_space<any>>
      tpu.wait_dma2 semaphore(%dma_wait3A_68 : memref<!tpu.dma_semaphore, #tpu.memory_space<semaphore_mem>>) src(%dma_wait3A_75 : memref<64x4096xbf16, #tpu.memory_space<any>>) dst(%dma_wait3A_72 : memref<64x4096xbf16, #tpu.memory_space<vmem>>)
      %get3A_76 = arith.index_cast %rem3A_62 : i32 to index
      %get3A_77 = arith.constant 0 : index
      %get3A_78 = arith.constant 0 : index
      %get3A_79 = vector.load %arg5[%get3A_76, %get3A_77, %get3A_78] : memref<4x64x4096xbf16, #tpu.memory_space<vmem>>, vector<1x64x4096xbf16>
      %get3A_80 = vector.shape_cast %get3A_79 : vector<1x64x4096xbf16> to vector<64x4096xbf16>
      %dot_general3A = arith.constant dense<0.000000e+00> : vector<640x4096xf32>
      %dot_general3A_81 = tpu.matmul %convert_element_type3A, %get3A_80, %dot_general3A {dimension_numbers = #tpu.dot_dimension_numbers<[1], [0], [0], [1], [0, 0, 1, 1], [], []>, transpose_lhs_hint = false} : vector<640x64xbf16>, vector<64x4096xbf16>, vector<640x4096xf32> -> vector<640x4096xf32>
      %get3A_82 = arith.constant 0 : index
      %get3A_83 = arith.constant 0 : index
      %get3A_84 = vector.load %arg7[%get3A_82, %get3A_83] : memref<640x1xf32, #tpu.memory_space<vmem>>, vector<640x1xf32>
      %exp3A = math.exp %dot_general3A_81 : vector<640x4096xf32>
      %reduce_sum3A = arith.constant dense<0.000000e+00> : vector<640xf32>
      %reduce_sum3A_85 = vector.multi_reduction <add>, %exp3A, %reduce_sum3A [1] : vector<640x4096xf32> to vector<640xf32>
      %broadcast_in_dim3A_86 = vector.shape_cast %reduce_sum3A_85 : vector<640xf32> to vector<640x1xf32>
      %add3A_87 = arith.addf %get3A_84, %broadcast_in_dim3A_86 : vector<640x1xf32>
      %swap3A_88 = arith.constant 0 : index
      %swap3A_89 = arith.constant 0 : index
      %swap3A_90 = vector.load %arg7[%swap3A_88, %swap3A_89] : memref<640x1xf32, #tpu.memory_space<vmem>>, vector<640x1xf32>
      tpu.vector_store %arg7[%swap3A_88, %swap3A_89], %add3A_87 {strides = array<i32>} : memref<640x1xf32, #tpu.memory_space<vmem>>, vector<640x1xf32>,
      %get3A_91 = arith.constant 0 : index
      %get3A_92 = arith.constant 0 : index
      %get3A_93 = vector.load %arg8[%get3A_91, %get3A_92] : memref<640x1xf32, #tpu.memory_space<vmem>>, vector<640x1xf32>
      %mul3A = arith.constant 4096 : i32
      %mul3A_94 = arith.muli %scan3A_61, %mul3A : i32
      %sub3A_95 = vector.broadcast %mul3A_94 : i32 to vector<640x1xi32>
      %sub3A_96 = arith.subi %get3A_12, %sub3A_95 : vector<640x1xi32>
      %eq3A = vector.broadcast %sub3A_96 : vector<640x1xi32> to vector<640x4096xi32>
      %eq3A_97 = arith.cmpi eq, %iota3A, %eq3A : vector<640x4096xi32>
      %jit3A = arith.constant 0.000000e+00 : f32
      %broadcast_in_dim3A_98 = vector.broadcast %jit3A : f32 to vector<640x4096xf32>
      %select_n3A = arith.select %eq3A_97, %dot_general3A_81, %broadcast_in_dim3A_98 : vector<640x4096xi1>, vector<640x4096xf32>
      %reduce_sum3A_99 = arith.constant dense<0.000000e+00> : vector<640xf32>
      %reduce_sum3A_100 = vector.multi_reduction <add>, %select_n3A, %reduce_sum3A_99 [1] : vector<640x4096xf32> to vector<640xf32>
      %broadcast_in_dim3A_101 = vector.shape_cast %reduce_sum3A_100 : vector<640xf32> to vector<640x1xf32>
      %add3A_102 = arith.addf %get3A_93, %broadcast_in_dim3A_101 : vector<640x1xf32>
      %swap3A_103 = arith.constant 0 : index
      %swap3A_104 = arith.constant 0 : index
      %swap3A_105 = vector.load %arg8[%swap3A_103, %swap3A_104] : memref<640x1xf32, #tpu.memory_space<vmem>>, vector<640x1xf32>
      tpu.vector_store %arg8[%swap3A_103, %swap3A_104], %add3A_102 {strides = array<i32>} : memref<640x1xf32, #tpu.memory_space<vmem>>, vector<640x1xf32>,
    }
    %scan3A_48 = arith.constant 24 : i32
    %get3A_49 = arith.constant 0 : index
    %get3A_50 = arith.constant 0 : index
    %get3A_51 = vector.load %arg7[%get3A_49, %get3A_50] : memref<640x1xf32, #tpu.memory_space<vmem>>, vector<640x1xf32>
    %swap3A_52 = arith.constant 0 : index
    %swap3A_53 = arith.constant 0 : index
    %swap3A_54 = vector.load %arg3[%swap3A_52, %swap3A_53] : memref<640x1xf32, #tpu.memory_space<vmem>>, vector<640x1xf32>
    tpu.vector_store %arg3[%swap3A_52, %swap3A_53], %get3A_51 {strides = array<i32>} : memref<640x1xf32, #tpu.memory_space<vmem>>, vector<640x1xf32>,
    %get3A_55 = arith.constant 0 : index
    %get3A_56 = arith.constant 0 : index
    %get3A_57 = vector.load %arg8[%get3A_55, %get3A_56] : memref<640x1xf32, #tpu.memory_space<vmem>>, vector<640x1xf32>
    %swap3A_58 = arith.constant 0 : index
    %swap3A_59 = arith.constant 0 : index
    %swap3A_60 = vector.load %arg4[%swap3A_58, %swap3A_59] : memref<640x1xf32, #tpu.memory_space<vmem>>, vector<640x1xf32>
    tpu.vector_store %arg4[%swap3A_58, %swap3A_59], %get3A_57 {strides = array<i32>} : memref<640x1xf32, #tpu.memory_space<vmem>>, vector<640x1xf32>,
    return
  }
}

module attributes {stable_mosaic.version = 14 : i64} {
  func.func @_combine_body(%arg0: memref<640x1xf32, #tpu.memory_space<vmem>>, %arg1: memref<640x1xf32, #tpu.memory_space<vmem>>, %arg2: memref<640x64xf32, #tpu.memory_space<vmem>>, %arg3: memref<64x1696xbf16, #tpu.memory_space<vmem>>, %arg4: memref<640x1xi32, #tpu.memory_space<vmem>>, %arg5: memref<640x1xf32, #tpu.memory_space<vmem>>, %arg6: memref<1x1xf32, #tpu.memory_space<vmem>>, %arg7: memref<1x1xf32, #tpu.memory_space<vmem>>) attributes {dimension_semantics = [], scalar_prefetch = 0 : i64, scratch_operands = 0 : i64, tpu.core_type = #tpu.core_type<tc>} {
    %get3A = arith.constant 0 : index
    %get3A_0 = arith.constant 0 : index
    %get3A_1 = vector.load %arg2[%get3A, %get3A_0] : memref<640x64xf32, #tpu.memory_space<vmem>>, vector<640x64xf32>
    %convert_element_type3A = arith.truncf %get3A_1 : vector<640x64xf32> to vector<640x64xbf16>
    %get3A_2 = arith.constant 0 : index
    %get3A_3 = arith.constant 0 : index
    %get3A_4 = vector.load %arg3[%get3A_2, %get3A_3] : memref<64x1696xbf16, #tpu.memory_space<vmem>>, vector<64x1696xbf16>
    %dot_general3A = arith.constant dense<0.000000e+00> : vector<640x1696xf32>
    %dot_general3A_5 = tpu.matmul %convert_element_type3A, %get3A_4, %dot_general3A {dimension_numbers = #tpu.dot_dimension_numbers<[1], [0], [0], [1], [0, 0, 1, 1], [], []>, transpose_lhs_hint = false} : vector<640x64xbf16>, vector<64x1696xbf16>, vector<640x1696xf32> -> vector<640x1696xf32>
    %get3A_6 = arith.constant 0 : index
    %get3A_7 = arith.constant 0 : index
    %get3A_8 = vector.load %arg0[%get3A_6, %get3A_7] : memref<640x1xf32, #tpu.memory_space<vmem>>, vector<640x1xf32>
    %exp3A = math.exp %dot_general3A_5 : vector<640x1696xf32>
    %reduce_sum3A = arith.constant dense<0.000000e+00> : vector<640xf32>
    %reduce_sum3A_9 = vector.multi_reduction <add>, %exp3A, %reduce_sum3A [1] : vector<640x1696xf32> to vector<640xf32>
    %broadcast_in_dim3A = vector.shape_cast %reduce_sum3A_9 : vector<640xf32> to vector<640x1xf32>
    %add3A = arith.addf %get3A_8, %broadcast_in_dim3A : vector<640x1xf32>
    %iota3A = tpu.iota {dimensions = array<i32: 1>} : vector<640x1696xi32>
    %get3A_10 = arith.constant 0 : index
    %get3A_11 = arith.constant 0 : index
    %get3A_12 = vector.load %arg1[%get3A_10, %get3A_11] : memref<640x1xf32, #tpu.memory_space<vmem>>, vector<640x1xf32>
    %get3A_13 = arith.constant 0 : index
    %get3A_14 = arith.constant 0 : index
    %get3A_15 = vector.load %arg4[%get3A_13, %get3A_14] : memref<640x1xi32, #tpu.memory_space<vmem>>, vector<640x1xi32>
    %sub3A = arith.constant 98304 : i32
    %sub3A_16 = vector.broadcast %sub3A : i32 to vector<640x1xi32>
    %sub3A_17 = arith.subi %get3A_15, %sub3A_16 : vector<640x1xi32>
    %eq3A = vector.broadcast %sub3A_17 : vector<640x1xi32> to vector<640x1696xi32>
    %eq3A_18 = arith.cmpi eq, %iota3A, %eq3A : vector<640x1696xi32>
    %jit3A = arith.constant 0.000000e+00 : f32
    %broadcast_in_dim3A_19 = vector.broadcast %jit3A : f32 to vector<640x1696xf32>
    %select_n3A = arith.select %eq3A_18, %dot_general3A_5, %broadcast_in_dim3A_19 : vector<640x1696xi1>, vector<640x1696xf32>
    %reduce_sum3A_20 = arith.constant dense<0.000000e+00> : vector<640xf32>
    %reduce_sum3A_21 = vector.multi_reduction <add>, %select_n3A, %reduce_sum3A_20 [1] : vector<640x1696xf32> to vector<640xf32>
    %broadcast_in_dim3A_22 = vector.shape_cast %reduce_sum3A_21 : vector<640xf32> to vector<640x1xf32>
    %add3A_23 = arith.addf %get3A_12, %broadcast_in_dim3A_22 : vector<640x1xf32>
    %log3A = math.log %add3A : vector<640x1xf32>
    %sub3A_24 = arith.subf %log3A, %add3A_23 : vector<640x1xf32>
    %get3A_25 = arith.constant 0 : index
    %get3A_26 = arith.constant 0 : index
    %get3A_27 = vector.load %arg5[%get3A_25, %get3A_26] : memref<640x1xf32, #tpu.memory_space<vmem>>, vector<640x1xf32>
    %mul3A = arith.mulf %sub3A_24, %get3A_27 : vector<640x1xf32>
    %get3A_28 = arith.constant 0 : index
    %get3A_29 = arith.constant 0 : index
    %get3A_30 = vector.load %arg5[%get3A_28, %get3A_29] : memref<640x1xf32, #tpu.memory_space<vmem>>, vector<320x1xf32>
    %reduce_sum3A_31 = vector.shape_cast %get3A_30 : vector<320x1xf32> to vector<1x320x1xf32>
    %reduce_sum3A_32 = arith.constant dense<0.000000e+00> : vector<1xf32>
    %reduce_sum3A_33 = vector.multi_reduction <add>, %reduce_sum3A_31, %reduce_sum3A_32 [1, 2] : vector<1x320x1xf32> to vector<1xf32>
    %reduce_sum3A_34 = vector.shape_cast %reduce_sum3A_33 : vector<1xf32> to vector<1x1x1xf32>
    %reduce_sum3A_35 = vector.extract %reduce_sum3A_34[0, 0, 0] : f32 from vector<1x1x1xf32>
    %slice3A = vector.extract_strided_slice %mul3A {offsets = [0, 0], sizes = [320, 1], strides = [1, 1]} : vector<640x1xf32> to vector<320x1xf32>
    %reduce_sum3A_36 = vector.shape_cast %slice3A : vector<320x1xf32> to vector<1x320x1xf32>
    %reduce_sum3A_37 = arith.constant dense<0.000000e+00> : vector<1xf32>
    %reduce_sum3A_38 = vector.multi_reduction <add>, %reduce_sum3A_36, %reduce_sum3A_37 [1, 2] : vector<1x320x1xf32> to vector<1xf32>
    %reduce_sum3A_39 = vector.shape_cast %reduce_sum3A_38 : vector<1xf32> to vector<1x1x1xf32>
    %reduce_sum3A_40 = vector.extract %reduce_sum3A_39[0, 0, 0] : f32 from vector<1x1x1xf32>
    %div3A = arith.divf %reduce_sum3A_40, %reduce_sum3A_35 : f32
    %slice3A_41 = vector.extract_strided_slice %mul3A {offsets = [320, 0], sizes = [320, 1], strides = [1, 1]} : vector<640x1xf32> to vector<320x1xf32>
    %reduce_sum3A_42 = vector.shape_cast %slice3A_41 : vector<320x1xf32> to vector<1x320x1xf32>
    %reduce_sum3A_43 = arith.constant dense<0.000000e+00> : vector<1xf32>
    %reduce_sum3A_44 = vector.multi_reduction <add>, %reduce_sum3A_42, %reduce_sum3A_43 [1, 2] : vector<1x320x1xf32> to vector<1xf32>
    %reduce_sum3A_45 = vector.shape_cast %reduce_sum3A_44 : vector<1xf32> to vector<1x1x1xf32>
    %reduce_sum3A_46 = vector.extract %reduce_sum3A_45[0, 0, 0] : f32 from vector<1x1x1xf32>
    %div3A_47 = arith.divf %reduce_sum3A_46, %reduce_sum3A_35 : f32
    %reshape3A = vector.broadcast %div3A : f32 to vector<1x1xf32>
    %swap3A = arith.constant 0 : index
    %swap3A_48 = arith.constant 0 : index
    %swap3A_49 = vector.load %arg6[%swap3A, %swap3A_48] : memref<1x1xf32, #tpu.memory_space<vmem>>, vector<1x1xf32>
    tpu.vector_store %arg6[%swap3A, %swap3A_48], %reshape3A {strides = array<i32>} : memref<1x1xf32, #tpu.memory_space<vmem>>, vector<1x1xf32>,
    %mul3A_50 = arith.constant 0.699999988 : f32
    %mul3A_51 = arith.mulf %mul3A_50, %div3A_47 : f32
    %mul3A_52 = arith.constant 3.000000e-01 : f32
    %mul3A_53 = arith.mulf %mul3A_52, %div3A : f32
    %add3A_54 = arith.addf %mul3A_51, %mul3A_53 : f32
    %reshape3A_55 = vector.broadcast %add3A_54 : f32 to vector<1x1xf32>
    %swap3A_56 = arith.constant 0 : index
    %swap3A_57 = arith.constant 0 : index
    %swap3A_58 = vector.load %arg7[%swap3A_56, %swap3A_57] : memref<1x1xf32, #tpu.memory_space<vmem>>, vector<1x1xf32>
    tpu.vector_store %arg7[%swap3A_56, %swap3A_57], %reshape3A_55 {strides = array<i32>} : memref<1x1xf32, #tpu.memory_space<vmem>>, vector<1x1xf32>,
    return
  }
}

</mosaic_0001>

<sc_bundles>
// kernel: kernel.5.cloned.1.call-start
scs
__scs_entry_jumppad:
0x0: {  	(pc) =	sbr.rel $0x88, $3  }
0x1: {  	(tag) =	ssettag $0x0;
	lr =	simm.s32 $0x1  }
0x2: {  	[smem:$0x3F9A] =	sst lr;
	_ =	strace $0xD0000000  }
0x3: {  	_ = 	snop  }
0x4: {  	_ = 	snop  }
0x5: {  	_ = 	snop  }
0x6: {  	_ = 	snop  }
0x7: {  	_ = 	snop  }
__scs_overlays_trampoline_lowered:
0x8: {  	[smem:$0x3FA9] =	sst s0  }
0x9: {  	[smem:$0x3FAA] =	sst s1  }
0xa: {  	[smem:$0x3FAB] =	sst s2  }
0xb: {  	[smem:$0x3FAC] =	sst s3  }
0xc: {  	[smem:$0x3FAD] =	sst s4  }
0xd: {  	[smem:$0x3FAE] =	sst s5  }
0xe: {  	[smem:$0x3FAF] =	sst s6  }
0xf: {  	[smem:$0x3FB0] =	sst s7  }
0x10: {  	[smem:$0x3FB1] =	sst s8  }
0x11: {  	[smem:$0x3FB2] =	sst s9;
	s0 =	simm.s32 @!p0 $0x0  }
0x12: {  	s1 =	sld [smem:$0x3F98];
	s0 =	simm.s32 @p0 $0x1  }
0x13: {  	[smem:$0x3FB3] =	sst s0;
	s0 =	simm.s32 @!p1 $0x0  }
0x14: {  	s2 =	sld [smem:$0x3F97];
	s0 =	simm.s32 @p1 $0x1  }
0x15: {  	[smem:$0x3FB4] =	sst s0;
	s0 =	simm.s32 @!p2 $0x0  }
0x16: {  	s3 =	sld [smem:$0x3FDB];
	s0 =	simm.s32 @p2 $0x1  }
0x17: {  	s4 =	simm.s32 $0x1BF5;
	[smem:$0x3FB6] =	sst s0  }
0x18: {  	s0 =	sld [smem:$0x3F99];
	_ =	swait.ge [sflag:s4], $0x0  }
0x19: {  	s7 =	sld [smem:$0x3F9A]  }
0x1a: {  	s8 =	sadd.s32 $0xFFFFE003, lr  }
0x1b: {  	s9 =	sadd.s32 $0xFFFFFEF7, lr;
	s5 =	simm.s32 $0xFFFFFFFF;
	p2 =	slt.u32 s8, $0xFFFFF086  }
0x1c: {  	p1 =	slt.u32 s9, $0xF7A;
	s5 =	simm.s32 @!p2 $0x0  }
0x1d: {  	s5 =	simm.s32 @p1 $0x1;
	p0 =	seq.s32 s7, s2  }
0x1e: {  	s7 =	smul.u32 @!p0 $0xF7A, s2;
	p2 =	seq.s32 @!p0 s5, $0x0  }
0x1f: {  	s9 =	smul.u32 $0xF7A, s1;
	s8 =	simm.s32 @!p0 $0x1BF5;
	p2 =	por !p2, p0  }
0x20: {  	[sflag:s8] =	ssyncset.s32 @!p0 $0xFFFFF086;
	s6 =	sadd.s32 @!p0 s3, s7;
	s7 =	simm.s32 @!p0 $0x108  }
0x21: {  	s3 =	sadd.s32 s3, s9;
	s6 =	sadd.s32 @!p0 $0x88, s6;
	s7 =	simm.s32 @p2 $0x1082  }
0x22: {  	[simem:s7], [sflag:s8] =	dma.local @!p0 [hbm:s6], $0xF7A  }
0x23: {  	s9 =	sor.u32 $0xD0000000, s2;
	s6 =	simm.s32 $0x108;
	_ =	swait.ge @!p0 [sflag:s8], $0x0  }
0x24: {  	s3 =	sadd.s32 $0x88, s3;
	s6 =	simm.s32 @!p1 $0x1082;
	[sflag:s4] =	ssyncset.s32 $0xFFFFF086  }
0x25: {  	[simem:s6], [sflag:s4] =	dma.local [hbm:s3], $0xF7A  }
0x26: {  	[smem:$0x3F9A] =	sst s1;
	(tag) =	ssettag s2;
	_ =	strace s9  }
0x27: {  	s1 =	sld [smem:$0x3FAA]  }
0x28: {  	s2 =	sld [smem:$0x3FAB]  }
0x29: {  	s4 =	sld [smem:$0x3FAD]  }
0x2a: {  	p0 =	seq.s32 s5, $0x0;
	s5 =	sld [smem:$0x3FAE]  }
0x2b: {  	s6 =	sld [smem:$0x3FAF]  }
0x2c: {  	s7 =	sld [smem:$0x3FB0]  }
0x2d: {  	s3 =	simm.s32 $0x108;
	s8 =	sld [smem:$0x3FB1]  }
0x2e: {  	s3 =	simm.s32 @!p0 $0x1082;
	s9 =	sld [smem:$0x3FB2]  }
0x2f: {  	lr =	sadd.s32 s0, s3;
	s0 =	sld [smem:$0x3FA9]  }
0x30: {  	s3 =	sld [smem:$0x3FAC]  }
0x31: {  	[smem:$0x3FB5] =	sst s10  }
0x32: {  	s10 =	sld [smem:$0x3FB3];
	_ =	sdelay $0x3  }
0x33: {  	p0 =	seq.s32 s10, $0x1;
	s10 =	sld [smem:$0x3FB5];
	_ =	sdelay $0x3  }
0x34: {  	[smem:$0x3FB5] =	sst s10  }
0x35: {  	s10 =	sld [smem:$0x3FB4];
	_ =	sdelay $0x3  }
0x36: {  	p1 =	seq.s32 s10, $0x1;
	s10 =	sld [smem:$0x3FB5];
	_ =	sdelay $0x3  }
0x37: {  	[smem:$0x3FB5] =	sst s10  }
0x38: {  	s10 =	sld [smem:$0x3FB6]  }
0x39: {  	_ = 	snop;
	(pc) =	sbr.ind lr, $3  }
0x3a: {  	_ = 	snop  }
0x3b: {  	_ = 	snop  }
0x3c: {  	p2 =	seq.s32 s10, $0x1;
	s10 =	sld [smem:$0x3FB5]  }
0x3d: {  	_ =	shalt  }
0x3e: {  	_ =	shalt  }
0x3f: {  	_ =	shalt  }
0x40: {  	_ =	shalt  }
0x41: {  	_ =	shalt  }
0x42: {  	_ =	shalt  }
0x43: {  	_ =	shalt  }
0x44: {  	_ =	shalt  }
0x45: {  	_ =	shalt  }
0x46: {  	_ =	shalt  }
0x47: {  	_ =	shalt  }
0x48: {  	_ =	shalt  }
0x49: {  	_ =	shalt  }
0x4a: {  	_ =	shalt  }
0x4b: {  	_ =	shalt  }
0x4c: {  	_ =	shalt  }
0x4d: {  	_ =	shalt  }
0x4e: {  	_ =	shalt  }
0x4f: {  	_ =	shalt  }
0x50: {  	_ =	shalt  }
0x51: {  	_ =	shalt  }
0x52: {  	_ =	shalt  }
0x53: {  	_ =	shalt  }
0x54: {  	_ =	shalt  }
0x55: {  	_ =	shalt  }
0x56: {  	_ =	shalt  }
0x57: {  	_ =	shalt  }
0x58: {  	_ =	shalt  }
0x59: {  	_ =	shalt  }
0x5a: {  	_ =	shalt  }
0x5b: {  	_ =	shalt  }
0x5c: {  	_ =	shalt  }
0x5d: {  	_ =	shalt  }
0x5e: {  	_ =	shalt  }
0x5f: {  	_ =	shalt  }
0x60: {  	_ =	shalt  }
0x61: {  	_ =	shalt  }
0x62: {  	_ =	shalt  }
0x63: {  	_ =	shalt  }
0x64: {  	_ =	shalt  }
0x65: {  	_ =	shalt  }
0x66: {  	_ =	shalt  }
0x67: {  	_ =	shalt  }
0x68: {  	_ =	shalt  }
0x69: {  	_ =	shalt  }
0x6a: {  	_ =	shalt  }
0x6b: {  	_ =	shalt  }
0x6c: {  	_ =	shalt  }
0x6d: {  	_ =	shalt  }
0x6e: {  	_ =	shalt  }
0x6f: {  	_ =	shalt  }
0x70: {  	_ =	shalt  }
0x71: {  	_ =	shalt  }
0x72: {  	_ =	shalt  }
0x73: {  	_ =	shalt  }
0x74: {  	_ =	shalt  }
0x75: {  	_ =	shalt  }
0x76: {  	_ =	shalt  }
0x77: {  	_ =	shalt  }
0x78: {  	_ =	shalt  }
0x79: {  	_ =	shalt  }
0x7a: {  	_ =	shalt  }
0x7b: {  	_ =	shalt  }
0x7c: {  	_ =	shalt  }
0x7d: {  	_ =	shalt  }
0x7e: {  	_ =	shalt  }
0x7f: {  	_ =	shalt  }
0x80: {  	_ =	shalt  }
0x81: {  	_ =	shalt  }
0x82: {  	_ =	shalt  }
0x83: {  	_ =	shalt  }
0x84: {  	_ =	shalt  }
0x85: {  	_ =	shalt  }
0x86: {  	_ =	shalt  }
0x87: {  	_ =	shalt  }
.Lfunc_end0:
.L_simem_size_0:
called_computation_lowered:
.L_overlay_start_0:
0x88: {  	s2 =	sld [smem:$0x3FD9]  }
0x89: {  	s3 =	sld [smem:$0x3FFE];
	_ =	sdelay $0x1  }
0x8a: {  	s1 =	srdreg.scid  }
0x8b: {  	s0 =	sand.u32 $0x1, s1  }
0x8c: {  	s16 =	sshll.u32 s0, $0xA;
	s2 =	sadd.s32 s3, s2  }
0x8d: {  	s2 =	sadd.s32 s2, s16  }
0x8e: {  	[smem:$0x3FC1] =	sst s2  }
0x8f: {  	_ = 	snop  }
0x90: {  	(tm) =	ssettm $0x1  }
0x91: {  	s17 =	sld [smem:$0x3FFB];
	_ =	sdelay $0x3  }
0x92: {  	_ =	strace s17  }
0x93: {  	s2 =	sld [smem:$0x3FFC];
	_ =	sdelay $0x3  }
0x94: {  	_ =	strace s2  }
0x95: {  	s2 =	sld [smem:$0x3FFD];
	_ =	sdelay $0x3  }
0x96: {  	_ =	strace s2  }
0x97: {  	_ =	strace $0x8FFFFFFF  }
0x98: {  	s18 =	sld [smem:$0x3FDB];
	_ =	sdelay $0x1  }
0x99: {  	s19 =	simm.s32 $_scs_section_size  }
0x9a: {  	s4 =	simm.s32 $_size__tile_overlayer_lowered;
	s5 =	simm.s32 $_tile_overlayer_lowered  }
0x9b: {  	s22 =	simm.s32 $0x1BFF;
	s21 =	sshll.u32 s5, $0x1;
	s2 =	sadd.s32 s19, s18  }
0x9c: {  	s6 =	simm.s32 $0x0;
	s20 =	sshll.u32 s4, $0x1;
	s4 =	sadd.s32 s21, s2  }
0x9d: {  	[timem:s6], [sflag:s22] =	dma.local [hbm:s4], s20  }
0x9e: {  	_ =	swait.ge [sflag:s22], s20  }
0x9f: {  	s3 =	ssub.s32 $0x0, s20;
	[sflag:s22] =	ssyncset.done $0x0  }
0xa0: {  	[sflag:s22] =	ssyncadd.s32 s3;
	_ =	sdelay $0x1  }
0xa1: {  	s23 =	simm.s32 $0x1B8B  }
0xa2: {  	_ =	swait.ge [sflag:s23], $0x1  }
0xa3: {  	[sflag:s23] =	ssyncset.done $0x0  }
0xa4: {  	s25 =	simm.s32 $0x1B8E;
	s24 =	sld [smem:$0x3FFE];
	[sflag:s23] =	ssyncadd.s32 $0xFFFFFFFF  }
0xa5: {  	s26 =	simm.s32 $execute0_lowered;
	[smem:$0x3FD2] =	sst s25  }
0xa6: {  	s4 =	sshll.u32 s26, $0x1;
	_ =	strace $0x80000046;
	[dreg:$0x1] =	wrdreg $0xFFFFFFFF  }
0xa7: {  	s28 =	simm.s32 $_size_execute0_lowered;
	s2 =	sadd.s32 s2, s4;
	[dreg:$0x0] =	wrdreg $0x0  }
0xa8: {  	s4 =	sshll.u32 s28, $0x1;
	[dreg:$0x2] =	wrdreg s2  }
0xa9: {  	[dreg:$0x3] =	wrdreg s4  }
0xaa: {  	[dreg:$0x4] =	wrdreg $0xC0  }
0xab: {  	_ =	task [dreg:s6], $0x5FFFF  }
0xac: {  	[dreg:$0x1] =	wrdreg $0xFFFFFFFF  }
0xad: {  	[dreg:$0x0] =	wrdreg $0x60  }
0xae: {  	[dreg:$0x2] =	wrdreg s24  }
0xaf: {  	[dreg:$0x3] =	wrdreg $0x9  }
0xb0: {  	_ =	task.clear_ibuf [dreg:s6], $0x4FFFF;
	_ =	strace $0x90000046  }
0xb1: {  	s29 =	simm.s32 $0x9;
	_ =	strace $0x80000048  }
0xb2: {  	_ =	swait.ge [sflag:s29], $0x1  }
0xb3: {  	[sflag:s29] =	ssyncadd.s32 $0xFFFFFFFF  }
0xb4: {  	_ =	strace $0x90000048  }
0xb5: {  	_ =	sfence  }
0xb6: {  	s30 =	sld [smem:$0x0];
	_ =	sdelay $0x2  }
0xb7: {  	s31 =	sshll.u32 s1, $0xD;
	s1 =	sshrl.u32 s1, $0x2  }
0xb8: {  	s3 =	sand.u32 $0x4000, s31;
	s1 =	sadd.s32 s1, s30  }
0xb9: {  	s0 =	sor.u32 s3, s0;
	s1 =	sshll.u32 s1, $0x11  }
0xba: {  	s0 =	sor.u32 s1, s0  }
0xbb: {  	s0 =	sadd.s32 $0x8F2B, s0  }
0xbc: {  	[sflag:s0] =	ssyncadd.remote.s32 $0x1  }
0xbd: {  	_ =	sfence.sel $0xFFFF  }
0xbe: {  	[dreg:$0x0] =	wrdreg $0xFFFFFFFF;
	(pc) =	sbr.abs _section_cstart, $3  }
0xbf: {  	[dreg:$0x1] =	wrdreg $0xFFFFFFFF  }
0xc0: {  	_ =	task.clear_ibuf [dreg:s6], $0x2FFFF;
	_ =	strace $0x9FFFFFFF  }
0xc1: {  	(tm) =	ssettm $0x7FFFFFFF  }
tec
execute0_lowered:
.L_overlay_start_1:
0x0: {  	(tag) =	ssettag $0x1  }
0x1: {  	s1 =	srdreg.scid;
	s0 =	stileid.u32  }
0x2: {  	s6 =	sand.u32 $0x1, s1;
	s30 =	sshll.u32 s0, $0x1  }
0x3: {  	s8 =	rddreg [dreg:$0x0];
	s7 =	sor.u32 s6, s30  }
0x4: {  	s2 =	simm.s32 $0x0;
	s1 =	rddreg [dreg:$0x1];
	s3 =	smul.u32 $0x3, s7  }
0x5: {  	[smem:$0x7FF] =	sst s2;
	s5 =	sadd.s32 $0x187C00, s8  }
0x6: {  	_ =	strace $0x80000047;
	s10 =	ssub.s32 $0x2, s6;
	s3 =	sadd.s32 s3, s8  }
0x7: {  	s6 =	simm.s32 $0x18;
	s4 =	sadd.s32 $0x1200, s3;
	s3 =	simm.s32 $0x2  }
0x8: {  	[tilespmem:s2], [sflag:$0x2] =	stream.linear.gather [hbm4b:s4+s2], $0x18, $0x38;
	[tilespmem:$0x618] =	vst v63  }
0x9: {  	s9 =	smul.u32 $0xC0, s7;
	s11 =	sshrl.u32 s10, $0x1;
	_ =	swait.ge [sflag:s3], $0x18  }
0xa: {  	s7 =	simm.s32 $0x1;
	s31 =	ssub.s32 s10, s11;
	[sflag:s3] =	ssyncset.done $0x0  }
0xb: {  	s8 =	sadd.s32 s9, s8;
	s9 =	smax.u32 s31, $0x1;
	[sflag:s3] =	ssyncadd.s32 $0xFFFFFFE8  }
0xc: {  	[tilespmem:s6], [sflag:$0x1] =	stream.indirect.gather [hbm4b:s5+s6], $0x40, s2, s6, $0xb8;
	[tilespmem:$0x618] =	vst v63  }
0xd: {  	p0 =	sne.s32 s9, $0x1;
	_ =	swait.ge [sflag:s7], $0x600  }
.Ltmp0:
0xe: {  	[sflag:s7] =	ssyncset.done $0x0;
	(pc) =	sbr.rel @!p0 .LBB2_2-.Ltmp0, $4  }
0xf: {  	s8 =	sadd.s32 $0x1400, s8;
	[sflag:s7] =	ssyncadd.s32 $0xFFFFFA00  }
0x10: {  	[hbm4b:s8+s2] =	stream.linear.scatter [tilespmem:s6], [sflag:$0x2], $0x600, $0x38;
	[tilespmem:$0x618] =	vst v63  }
0x11: {  	_ =	swait.ge [sflag:s3], $0x600  }
0x12: {  	s9 =	sadd.s32 $0xFFFFFFFF, s9;
	[sflag:s3] =	ssyncset.done $0x0  }
.LBB2_1:
0x13: {  	p0 =	sne.s32 s9, $0x1;
	s9 =	sadd.s32 $0xFFFFFFFF, s9;
	[sflag:s3] =	ssyncadd.s32 $0xFFFFFA00  }
0x14: {  	[tilespmem:s2], [sflag:$0x2] =	stream.linear.gather [hbm4b:s4+s2], $0x18, $0x38;
	[tilespmem:$0x618] =	vst v63  }
0x15: {  	_ =	swait.ge [sflag:s3], $0x18  }
0x16: {  	[sflag:s3] =	ssyncset.done $0x0  }
0x17: {  	[sflag:s3] =	ssyncadd.s32 $0xFFFFFFE8  }
0x18: {  	[tilespmem:s6], [sflag:$0x1] =	stream.indirect.gather [hbm4b:s5+s6], $0x40, s2, s6, $0xb8;
	[tilespmem:$0x618] =	vst v63  }
0x19: {  	_ =	swait.ge [sflag:s7], $0x600  }
.Ltmp1:
0x1a: {  	[sflag:s7] =	ssyncset.done $0x0;
	(pc) =	sbr.rel @p0 .LBB2_1-.Ltmp1, $4  }
0x1b: {  	[sflag:s7] =	ssyncadd.s32 $0xFFFFFA00  }
0x1c: {  	[hbm4b:s8+s2] =	stream.linear.scatter [tilespmem:s6], [sflag:$0x2], $0x600, $0x38;
	[tilespmem:$0x618] =	vst v63  }
0x1d: {  	_ =	swait.ge [sflag:s3], $0x600  }
0x1e: {  	[sflag:s3] =	ssyncset.done $0x0  }
.LBB2_2:
0x1f: {  	[sflag:s3] =	ssyncadd.s32 $0xFFFFFA00  }
0x20: {  	_ =	sfence.sel $0x180000  }
0x21: {  	[bflag:$0x0] =	sbarrier.arrive $0xFFFF  }
0x22: {  	p0 =	sne.s32 s0, $0x0;
	_ =	strace $0x90000047  }
0x23: {  	s0 =	sadd.s32 @!p0 $0x100000, s1;
	[bflag:$0x2] =	sbarrier.arrive $0xFFFF  }
0x24: {  	[sflag:s0] =	ssyncadd.tile.s32 @!p0 $0x1;
	_ =	shalt  }
.Lfunc_end2:
_tile_overlayer_lowered:
.L_overlay_start_2:
0x25: {  	(tag) =	ssettag $0x2  }
0x26: {  	s0 =	rddreg [dreg:$0x0];
	s2 =	stileid.u32  }
0x27: {  	s1 =	rddreg [dreg:$0x1];
	p0 =	sne.s32 s2, $0x0  }
0x28: {  	s3 =	rddreg [dreg:$0x2];
	[bflag:$0x3] =	sbarrier.arrive $0xFFFF;
	s2 =	simm.s32 @!p0 $0x1C02  }
0x29: {  	[timem:s3], [sflag:s2] =	dma.local @!p0 [hbm:s0], s1  }
0x2a: {  	s0 =	simm.s32 @!p0 $0x2  }
0x2b: {  	_ =	swait.ge @!p0 [sflag:s0], s1  }
0x2c: {  	s1 =	ssub.s32 @!p0 $0x0, s1;
	[sflag:s0] =	ssyncset.done @!p0 $0x0  }
0x2d: {  	[sflag:s0] =	ssyncadd.s32 @!p0 s1  }
0x2e: {  	[bflag:$0x3] =	sbarrier.arrive $0xFFFF  }
0x2f: {  	_ =	shalt  }

</sc_bundles>
